<compile_context>
chip_gen: v7x
topology: tpu7x:2x2x1
jax: 0.10.2.dev20260603
libtpu: 0.0.44.dev20260713+nightly
codegen_flags: <defaults>
</compile_context>

<pallas_src>
import jax
import jax.numpy as jnp
from jax import lax
from jax.experimental import pallas as pl
from jax.experimental.pallas import tpu as pltpu
from jax.experimental.pallas import tpu_sc as plsc

B, P, F, N = 1024, 100, 128, 512
NW = 32
BPW = B // NW
L = 16
_STARTS = (0, 16, 32, 48, 64, 80, 84)


def _gather_body(idx_hbm, emb_hbm, out_hbm, idx_all, widx, gbuf, gsem, wsem):
    wid = lax.axis_index("s") * 2 + lax.axis_index("c")
    base = wid * BPW
    pltpu.sync_copy(idx_hbm.at[pl.ds(base, BPW), :], idx_all)

    @pl.loop(0, BPW)
    def _batch(i):
        b = base + i
        bvec = jnp.full((L,), b, jnp.int32)
        for s in _STARTS:
            rows = lax.iota(jnp.int32, L) + jnp.full((L,), s, jnp.int32)
            widx[0, pl.ds(s, L)] = rows * jnp.full((L,), B, jnp.int32) + bvec
        gd = pltpu.async_copy(
            emb_hbm.at[b].at[idx_all.at[i, pl.ds(0, P)]], gbuf, gsem)
        gd.wait()
        pltpu.async_copy(gbuf, out_hbm.at[widx.at[0]], wsem).wait()


def kernel(known_one_hot, unknown_one_hot, known_differ_one_hot,
           workers_qa_turn_one_hot, workers_max_qa_turn_one_hot,
           personal_nodes, final_node_embed):
    idx = jnp.pad(personal_nodes.astype(jnp.int32), ((0, 0), (0, 128 - P)))

    mesh = plsc.VectorSubcoreMesh(core_axis_name="c", subcore_axis_name="s")
    gathered_t = pl.kernel(
        _gather_body,
        out_type=jax.ShapeDtypeStruct((P * B, F), jnp.float32),
        mesh=mesh,
        compiler_params=pltpu.CompilerParams(use_tc_tiling_on_sc=True),
        scratch_types=[
            pltpu.VMEM((BPW, 128), jnp.int32),
            pltpu.VMEM((1, P), jnp.int32),
            pltpu.VMEM((P, F), jnp.float32),
            pltpu.SemaphoreType.DMA,
            pltpu.SemaphoreType.DMA,
        ],
    )(idx, final_node_embed)

    out_t = jnp.concatenate(
        [jnp.transpose(f, (1, 0, 2)) for f in
         (known_one_hot, unknown_one_hot, known_differ_one_hot,
          workers_qa_turn_one_hot, workers_max_qa_turn_one_hot)]
        + [gathered_t.reshape(P, B, F)], axis=2)
    return jnp.transpose(out_t, (1, 0, 2))

# --- scband reference (transcript-rebuilt; emitter-appended) ---
"""Pipeline reference for scband-workers-state-tracker-29661044146286 (READ-ONLY COPY).

The authoritative reference and input builder live on the scoring server;
editing this copy changes nothing except your own understanding.
"""

import jax, jax.numpy as jnp
import numpy as np

B, P, F, N = 1024, 100, 128, 512

def setup_inputs(seed: int = 0) -> dict:
    key = jax.random.key(seed)
    ks = jax.random.split(key, 7)
    inp = {}
    names = ["known_one_hot", "unknown_one_hot", "known_differ_one_hot",
             "workers_qa_turn_one_hot", "workers_max_qa_turn_one_hot"]
    for i, n in enumerate(names):
        inp[n] = jax.random.normal(ks[i], (B, P, F), dtype=jnp.float32)
    inp["personal_nodes"] = jax.random.randint(ks[5], (B, P), 0, N)
    inp["final_node_embed"] = jax.random.normal(ks[6], (B, N, F), dtype=jnp.float32)
    return inp

def batch_embedding_lookup(embeddings, indices):
    # embeddings: (B, N, F), indices: (B, P) -> (B, P, F)
    return jnp.take_along_axis(embeddings, indices[:, :, None], axis=1)

def reference(known_one_hot, unknown_one_hot, known_differ_one_hot,
              workers_qa_turn_one_hot, workers_max_qa_turn_one_hot,
              personal_nodes, final_node_embed):
    personal_node_embed = batch_embedding_lookup(final_node_embed, personal_nodes)
    workers_state = jnp.concatenate(
        (known_one_hot, unknown_one_hot, known_differ_one_hot,
         workers_qa_turn_one_hot, workers_max_qa_turn_one_hot,
         personal_node_embed), axis=2)
    return workers_state

if __name__ == "__main__":
    import jax
    _d = setup_inputs()
    print(jax.jit(kernel)(*tuple(_d.values())))

</pallas_src>

<mosaic_0001>
#map = affine_map<(d0, d1) -> (0, 0)>
#map1 = affine_map<(d0, d1) -> (0, 0, 0)>
module attributes {stable_mosaic.version = 14 : i64} {
  func.func @_gather_body(%arg0: i32, %arg1: i32, %arg2: memref<1024x128xi32, #tpu.memory_space<hbm>>, %arg3: memref<1024x512x128xf32, #tpu.memory_space<hbm>>, %arg4: memref<102400x128xf32, #tpu.memory_space<hbm>>, %arg5: memref<32x128xi32, #tpu.memory_space<vmem>>, %arg6: memref<1x100xi32, #tpu.memory_space<vmem>>, %arg7: memref<100x128xf32, #tpu.memory_space<vmem>>, %arg8: memref<!tpu.dma_semaphore, #tpu.memory_space<semaphore_mem>>, %arg9: memref<!tpu.dma_semaphore, #tpu.memory_space<semaphore_mem>>) attributes {dimension_semantics = [#tpu.dimension_semantics<core_parallel>, #tpu.dimension_semantics<subcore_parallel>], iteration_bounds = array<i64: 2, 16>, scalar_prefetch = 0 : i64, scratch_operands = 5 : i64, tpu.core_type = #tpu.core_type<sc_vector_subcore>, window_params = [{transform_indices = #map}, {transform_indices = #map1}, {transform_indices = #map}]} {
    %mul3A = arith.constant 2 : i32
    %mul3A_0 = arith.muli %arg1, %mul3A : i32
    %add3A = arith.addi %mul3A_0, %arg0 : i32
    %mul3A_1 = arith.constant 32 : i32
    %mul3A_2 = arith.muli %add3A, %mul3A_1 : i32
    "tpu.region"() ({
      %run_scoped3A = tpu.sem_alloc : memref<!tpu.dma_semaphore, #tpu.memory_space<semaphore_mem>>
      %dma_start3A = arith.constant 0 : i32
      %dma_start3A_7 = tpu.memref_slice %arg2[%mul3A_2, %dma_start3A] : memref<1024x128xi32, #tpu.memory_space<hbm>> -> memref<32x128xi32, #tpu.memory_space<hbm>>
      %dma_start3A_8 = arith.constant 0 : i32
      %dma_start3A_9 = tpu.memref_slice %arg2[%mul3A_2, %dma_start3A_8] : memref<1024x128xi32, #tpu.memory_space<hbm>> -> memref<32x128xi32, #tpu.memory_space<hbm>>
      tpu.enqueue_dma source(%dma_start3A_9 : memref<32x128xi32, #tpu.memory_space<hbm>>) target(%arg5 : memref<32x128xi32, #tpu.memory_space<vmem>>) target_semaphore(%run_scoped3A : memref<!tpu.dma_semaphore, #tpu.memory_space<semaphore_mem>>)
      %dma_wait3A = arith.constant 0 : i32
      %dma_wait3A_10 = tpu.memref_slice %arg2[%mul3A_2, %dma_wait3A] : memref<1024x128xi32, #tpu.memory_space<hbm>> -> memref<32x128xi32, #tpu.memory_space<hbm>>
      %dma_wait3A_11 = arith.constant 0 : i32
      %dma_wait3A_12 = tpu.memref_slice %arg2[%mul3A_2, %dma_wait3A_11] : memref<1024x128xi32, #tpu.memory_space<hbm>> -> memref<32x128xi32, #tpu.memory_space<hbm>>
      tpu.wait_dma2 semaphore(%run_scoped3A : memref<!tpu.dma_semaphore, #tpu.memory_space<semaphore_mem>>) src(%dma_wait3A_12 : memref<32x128xi32, #tpu.memory_space<hbm>>) dst(%arg5 : memref<32x128xi32, #tpu.memory_space<vmem>>)
      tpu.yield
    }) : () -> ()
    %scan3A = arith.constant 0 : i32
    %scan3A_3 = arith.constant 32 : i32
    %scan3A_4 = arith.addi %scan3A, %scan3A_3 : i32
    %scan3A_5 = arith.constant 1 : i32
    scf.for %scan3A_7 = %scan3A to %scan3A_4 step %scan3A_5  : i32 {
      %mul3A_8 = arith.constant 1 : i32
      %mul3A_9 = arith.muli %scan3A_7, %mul3A_8 : i32
      %add3A_10 = arith.constant 0 : i32
      %add3A_11 = arith.addi %add3A_10, %mul3A_9 : i32
      %add3A_12 = arith.addi %mul3A_2, %add3A_11 : i32
      %broadcast_in_dim3A = vector.broadcast %add3A_12 : i32 to vector<16xi32>
      %iota3A = tpu.iota {dimensions = array<i32: 0>} : vector<16xi32>
      %broadcast_in_dim3A_13 = arith.constant 0 : i32
      %broadcast_in_dim3A_14 = vector.broadcast %broadcast_in_dim3A_13 : i32 to vector<16xi32>
      %add3A_15 = arith.addi %iota3A, %broadcast_in_dim3A_14 : vector<16xi32>
      %broadcast_in_dim3A_16 = arith.constant 1024 : i32
      %broadcast_in_dim3A_17 = vector.broadcast %broadcast_in_dim3A_16 : i32 to vector<16xi32>
      %mul3A_18 = arith.muli %add3A_15, %broadcast_in_dim3A_17 : vector<16xi32>
      %add3A_19 = arith.addi %mul3A_18, %broadcast_in_dim3A : vector<16xi32>
      %swap3A = arith.constant 0 : i32
      %swap3A_20 = arith.index_cast %swap3A : i32 to index
      %swap3A_21 = arith.constant 0 : index
      %swap3A_22 = tpu.vector_load %arg6[%swap3A_20, %swap3A_21] {strides = array<i32>} : memref<1x100xi32, #tpu.memory_space<vmem>>, vector<1x16xi32>,
      %swap3A_23 = vector.shape_cast %swap3A_22 : vector<1x16xi32> to vector<16xi32>
      %swap3A_24 = vector.shape_cast %add3A_19 : vector<16xi32> to vector<1x16xi32>
      tpu.vector_store %arg6[%swap3A_20, %swap3A_21], %swap3A_24 {strides = array<i32>} : memref<1x100xi32, #tpu.memory_space<vmem>>, vector<1x16xi32>,
      %iota3A_25 = tpu.iota {dimensions = array<i32: 0>} : vector<16xi32>
      %broadcast_in_dim3A_26 = arith.constant 16 : i32
      %broadcast_in_dim3A_27 = vector.broadcast %broadcast_in_dim3A_26 : i32 to vector<16xi32>
      %add3A_28 = arith.addi %iota3A_25, %broadcast_in_dim3A_27 : vector<16xi32>
      %broadcast_in_dim3A_29 = arith.constant 1024 : i32
      %broadcast_in_dim3A_30 = vector.broadcast %broadcast_in_dim3A_29 : i32 to vector<16xi32>
      %mul3A_31 = arith.muli %add3A_28, %broadcast_in_dim3A_30 : vector<16xi32>
      %add3A_32 = arith.addi %mul3A_31, %broadcast_in_dim3A : vector<16xi32>
      %swap3A_33 = arith.constant 0 : i32
      %swap3A_34 = arith.index_cast %swap3A_33 : i32 to index
      %swap3A_35 = arith.constant 16 : index
      %swap3A_36 = tpu.vector_load %arg6[%swap3A_34, %swap3A_35] {strides = array<i32>} : memref<1x100xi32, #tpu.memory_space<vmem>>, vector<1x16xi32>,
      %swap3A_37 = vector.shape_cast %swap3A_36 : vector<1x16xi32> to vector<16xi32>
      %swap3A_38 = vector.shape_cast %add3A_32 : vector<16xi32> to vector<1x16xi32>
      tpu.vector_store %arg6[%swap3A_34, %swap3A_35], %swap3A_38 {strides = array<i32>} : memref<1x100xi32, #tpu.memory_space<vmem>>, vector<1x16xi32>,
      %iota3A_39 = tpu.iota {dimensions = array<i32: 0>} : vector<16xi32>
      %broadcast_in_dim3A_40 = arith.constant 32 : i32
      %broadcast_in_dim3A_41 = vector.broadcast %broadcast_in_dim3A_40 : i32 to vector<16xi32>
      %add3A_42 = arith.addi %iota3A_39, %broadcast_in_dim3A_41 : vector<16xi32>
      %broadcast_in_dim3A_43 = arith.constant 1024 : i32
      %broadcast_in_dim3A_44 = vector.broadcast %broadcast_in_dim3A_43 : i32 to vector<16xi32>
      %mul3A_45 = arith.muli %add3A_42, %broadcast_in_dim3A_44 : vector<16xi32>
      %add3A_46 = arith.addi %mul3A_45, %broadcast_in_dim3A : vector<16xi32>
      %swap3A_47 = arith.constant 0 : i32
      %swap3A_48 = arith.index_cast %swap3A_47 : i32 to index
      %swap3A_49 = arith.constant 32 : index
      %swap3A_50 = tpu.vector_load %arg6[%swap3A_48, %swap3A_49] {strides = array<i32>} : memref<1x100xi32, #tpu.memory_space<vmem>>, vector<1x16xi32>,
      %swap3A_51 = vector.shape_cast %swap3A_50 : vector<1x16xi32> to vector<16xi32>
      %swap3A_52 = vector.shape_cast %add3A_46 : vector<16xi32> to vector<1x16xi32>
      tpu.vector_store %arg6[%swap3A_48, %swap3A_49], %swap3A_52 {strides = array<i32>} : memref<1x100xi32, #tpu.memory_space<vmem>>, vector<1x16xi32>,
      %iota3A_53 = tpu.iota {dimensions = array<i32: 0>} : vector<16xi32>
      %broadcast_in_dim3A_54 = arith.constant 48 : i32
      %broadcast_in_dim3A_55 = vector.broadcast %broadcast_in_dim3A_54 : i32 to vector<16xi32>
      %add3A_56 = arith.addi %iota3A_53, %broadcast_in_dim3A_55 : vector<16xi32>
      %broadcast_in_dim3A_57 = arith.constant 1024 : i32
      %broadcast_in_dim3A_58 = vector.broadcast %broadcast_in_dim3A_57 : i32 to vector<16xi32>
      %mul3A_59 = arith.muli %add3A_56, %broadcast_in_dim3A_58 : vector<16xi32>
      %add3A_60 = arith.addi %mul3A_59, %broadcast_in_dim3A : vector<16xi32>
      %swap3A_61 = arith.constant 0 : i32
      %swap3A_62 = arith.index_cast %swap3A_61 : i32 to index
      %swap3A_63 = arith.constant 48 : index
      %swap3A_64 = tpu.vector_load %arg6[%swap3A_62, %swap3A_63] {strides = array<i32>} : memref<1x100xi32, #tpu.memory_space<vmem>>, vector<1x16xi32>,
      %swap3A_65 = vector.shape_cast %swap3A_64 : vector<1x16xi32> to vector<16xi32>
      %swap3A_66 = vector.shape_cast %add3A_60 : vector<16xi32> to vector<1x16xi32>
      tpu.vector_store %arg6[%swap3A_62, %swap3A_63], %swap3A_66 {strides = array<i32>} : memref<1x100xi32, #tpu.memory_space<vmem>>, vector<1x16xi32>,
      %iota3A_67 = tpu.iota {dimensions = array<i32: 0>} : vector<16xi32>
      %broadcast_in_dim3A_68 = arith.constant 64 : i32
      %broadcast_in_dim3A_69 = vector.broadcast %broadcast_in_dim3A_68 : i32 to vector<16xi32>
      %add3A_70 = arith.addi %iota3A_67, %broadcast_in_dim3A_69 : vector<16xi32>
      %broadcast_in_dim3A_71 = arith.constant 1024 : i32
      %broadcast_in_dim3A_72 = vector.broadcast %broadcast_in_dim3A_71 : i32 to vector<16xi32>
      %mul3A_73 = arith.muli %add3A_70, %broadcast_in_dim3A_72 : vector<16xi32>
      %add3A_74 = arith.addi %mul3A_73, %broadcast_in_dim3A : vector<16xi32>
      %swap3A_75 = arith.constant 0 : i32
      %swap3A_76 = arith.index_cast %swap3A_75 : i32 to index
      %swap3A_77 = arith.constant 64 : index
      %swap3A_78 = tpu.vector_load %arg6[%swap3A_76, %swap3A_77] {strides = array<i32>} : memref<1x100xi32, #tpu.memory_space<vmem>>, vector<1x16xi32>,
      %swap3A_79 = vector.shape_cast %swap3A_78 : vector<1x16xi32> to vector<16xi32>
      %swap3A_80 = vector.shape_cast %add3A_74 : vector<16xi32> to vector<1x16xi32>
      tpu.vector_store %arg6[%swap3A_76, %swap3A_77], %swap3A_80 {strides = array<i32>} : memref<1x100xi32, #tpu.memory_space<vmem>>, vector<1x16xi32>,
      %iota3A_81 = tpu.iota {dimensions = array<i32: 0>} : vector<16xi32>
      %broadcast_in_dim3A_82 = arith.constant 80 : i32
      %broadcast_in_dim3A_83 = vector.broadcast %broadcast_in_dim3A_82 : i32 to vector<16xi32>
      %add3A_84 = arith.addi %iota3A_81, %broadcast_in_dim3A_83 : vector<16xi32>
      %broadcast_in_dim3A_85 = arith.constant 1024 : i32
      %broadcast_in_dim3A_86 = vector.broadcast %broadcast_in_dim3A_85 : i32 to vector<16xi32>
      %mul3A_87 = arith.muli %add3A_84, %broadcast_in_dim3A_86 : vector<16xi32>
      %add3A_88 = arith.addi %mul3A_87, %broadcast_in_dim3A : vector<16xi32>
      %swap3A_89 = arith.constant 0 : i32
      %swap3A_90 = arith.index_cast %swap3A_89 : i32 to index
      %swap3A_91 = arith.constant 80 : index
      %swap3A_92 = tpu.vector_load %arg6[%swap3A_90, %swap3A_91] {strides = array<i32>} : memref<1x100xi32, #tpu.memory_space<vmem>>, vector<1x16xi32>,
      %swap3A_93 = vector.shape_cast %swap3A_92 : vector<1x16xi32> to vector<16xi32>
      %swap3A_94 = vector.shape_cast %add3A_88 : vector<16xi32> to vector<1x16xi32>
      tpu.vector_store %arg6[%swap3A_90, %swap3A_91], %swap3A_94 {strides = array<i32>} : memref<1x100xi32, #tpu.memory_space<vmem>>, vector<1x16xi32>,
      %iota3A_95 = tpu.iota {dimensions = array<i32: 0>} : vector<16xi32>
      %broadcast_in_dim3A_96 = arith.constant 84 : i32
      %broadcast_in_dim3A_97 = vector.broadcast %broadcast_in_dim3A_96 : i32 to vector<16xi32>
      %add3A_98 = arith.addi %iota3A_95, %broadcast_in_dim3A_97 : vector<16xi32>
      %broadcast_in_dim3A_99 = arith.constant 1024 : i32
      %broadcast_in_dim3A_100 = vector.broadcast %broadcast_in_dim3A_99 : i32 to vector<16xi32>
      %mul3A_101 = arith.muli %add3A_98, %broadcast_in_dim3A_100 : vector<16xi32>
      %add3A_102 = arith.addi %mul3A_101, %broadcast_in_dim3A : vector<16xi32>
      %swap3A_103 = arith.constant 0 : i32
      %swap3A_104 = arith.index_cast %swap3A_103 : i32 to index
      %swap3A_105 = arith.constant 84 : index
      %swap3A_106 = tpu.vector_load %arg6[%swap3A_104, %swap3A_105] {strides = array<i32>} : memref<1x100xi32, #tpu.memory_space<vmem>>, vector<1x16xi32>,
      %swap3A_107 = vector.shape_cast %swap3A_106 : vector<1x16xi32> to vector<16xi32>
      %swap3A_108 = vector.shape_cast %add3A_102 : vector<16xi32> to vector<1x16xi32>
      tpu.vector_store %arg6[%swap3A_104, %swap3A_105], %swap3A_108 {strides = array<i32>} : memref<1x100xi32, #tpu.memory_space<vmem>>, vector<1x16xi32>,
      %dma_start3A = arith.constant 0 : i32
      %dma_start3A_109 = tpu.memref_slice %arg5[%add3A_11, %dma_start3A] : memref<32x128xi32, #tpu.memory_space<vmem>> -> memref<1x100xi32, #tpu.memory_space<vmem>>
      %dma_start3A_110 = tpu.memref_squeeze %dma_start3A_109 : memref<1x100xi32, #tpu.memory_space<vmem>> -> memref<100xi32, #tpu.memory_space<vmem>>
      %dma_start3A_111 = arith.constant 0 : i32
      %dma_start3A_112 = arith.constant 0 : i32
      %dma_start3A_113 = tpu.memref_slice %arg3[%add3A_12, %dma_start3A_111, %dma_start3A_112] : memref<1024x512x128xf32, #tpu.memory_space<hbm>> -> memref<1x512x128xf32, #tpu.memory_space<hbm>>
      %dma_start3A_114 = tpu.memref_squeeze %dma_start3A_113 : memref<1x512x128xf32, #tpu.memory_space<hbm>> -> memref<512x128xf32, #tpu.memory_space<hbm>>
      %dma_start3A_115 = arith.constant 0 : i32
      %dma_start3A_116 = arith.constant 0 : i32
      %dma_start3A_117 = tpu.memref_slice %dma_start3A_114[%dma_start3A_115, %dma_start3A_116] : memref<512x128xf32, #tpu.memory_space<hbm>> -> memref<512x128xf32, #tpu.memory_space<hbm>>
      tpu.enqueue_indirect_dma source(%dma_start3A_117 : memref<512x128xf32, #tpu.memory_space<hbm>>) target(%arg7 : memref<100x128xf32, #tpu.memory_space<vmem>>) offsets(%dma_start3A_110 : memref<100xi32, #tpu.memory_space<vmem>>) semaphore(%arg8 : memref<!tpu.dma_semaphore, #tpu.memory_space<semaphore_mem>>)
      %dma_wait3A = arith.constant 0 : i32
      %dma_wait3A_118 = tpu.memref_slice %arg5[%add3A_11, %dma_wait3A] : memref<32x128xi32, #tpu.memory_space<vmem>> -> memref<1x100xi32, #tpu.memory_space<vmem>>
      %dma_wait3A_119 = tpu.memref_squeeze %dma_wait3A_118 : memref<1x100xi32, #tpu.memory_space<vmem>> -> memref<100xi32, #tpu.memory_space<vmem>>
      %dma_wait3A_120 = arith.constant 0 : i32
      %dma_wait3A_121 = arith.constant 0 : i32
      %dma_wait3A_122 = tpu.memref_slice %arg3[%add3A_12, %dma_wait3A_120, %dma_wait3A_121] : memref<1024x512x128xf32, #tpu.memory_space<hbm>> -> memref<1x512x128xf32, #tpu.memory_space<hbm>>
      %dma_wait3A_123 = tpu.memref_squeeze %dma_wait3A_122 : memref<1x512x128xf32, #tpu.memory_space<hbm>> -> memref<512x128xf32, #tpu.memory_space<hbm>>
      %dma_wait3A_124 = arith.constant 0 : i32
      %dma_wait3A_125 = arith.constant 0 : i32
      %dma_wait3A_126 = tpu.memref_slice %dma_wait3A_123[%dma_wait3A_124, %dma_wait3A_125] : memref<512x128xf32, #tpu.memory_space<hbm>> -> memref<512x128xf32, #tpu.memory_space<hbm>>
      tpu.wait_indirect_dma semaphore(%arg8 : memref<!tpu.dma_semaphore, #tpu.memory_space<semaphore_mem>>) src(%dma_wait3A_126 : memref<512x128xf32, #tpu.memory_space<hbm>>) dst(%arg7 : memref<100x128xf32, #tpu.memory_space<vmem>>)
      %dma_start3A_127 = arith.constant 0 : i32
      %dma_start3A_128 = arith.constant 0 : i32
      %dma_start3A_129 = tpu.memref_slice %arg6[%dma_start3A_127, %dma_start3A_128] : memref<1x100xi32, #tpu.memory_space<vmem>> -> memref<1x100xi32, #tpu.memory_space<vmem>>
      %dma_start3A_130 = tpu.memref_squeeze %dma_start3A_129 : memref<1x100xi32, #tpu.memory_space<vmem>> -> memref<100xi32, #tpu.memory_space<vmem>>
      %dma_start3A_131 = arith.constant 0 : i32
      %dma_start3A_132 = arith.constant 0 : i32
      %dma_start3A_133 = tpu.memref_slice %arg4[%dma_start3A_131, %dma_start3A_132] : memref<102400x128xf32, #tpu.memory_space<hbm>> -> memref<102400x128xf32, #tpu.memory_space<hbm>>
      tpu.enqueue_indirect_dma source(%arg7 : memref<100x128xf32, #tpu.memory_space<vmem>>) target(%dma_start3A_133 : memref<102400x128xf32, #tpu.memory_space<hbm>>) offsets(%dma_start3A_130 : memref<100xi32, #tpu.memory_space<vmem>>) semaphore(%arg9 : memref<!tpu.dma_semaphore, #tpu.memory_space<semaphore_mem>>)
      %dma_wait3A_134 = arith.constant 0 : i32
      %dma_wait3A_135 = arith.constant 0 : i32
      %dma_wait3A_136 = tpu.memref_slice %arg6[%dma_wait3A_134, %dma_wait3A_135] : memref<1x100xi32, #tpu.memory_space<vmem>> -> memref<1x100xi32, #tpu.memory_space<vmem>>
      %dma_wait3A_137 = tpu.memref_squeeze %dma_wait3A_136 : memref<1x100xi32, #tpu.memory_space<vmem>> -> memref<100xi32, #tpu.memory_space<vmem>>
      %dma_wait3A_138 = arith.constant 0 : i32
      %dma_wait3A_139 = arith.constant 0 : i32
      %dma_wait3A_140 = tpu.memref_slice %arg4[%dma_wait3A_138, %dma_wait3A_139] : memref<102400x128xf32, #tpu.memory_space<hbm>> -> memref<102400x128xf32, #tpu.memory_space<hbm>>
      tpu.wait_indirect_dma semaphore(%arg9 : memref<!tpu.dma_semaphore, #tpu.memory_space<semaphore_mem>>) src(%arg7 : memref<100x128xf32, #tpu.memory_space<vmem>>) dst(%dma_wait3A_140 : memref<102400x128xf32, #tpu.memory_space<hbm>>)
    }
    %scan3A_6 = arith.constant 32 : i32
    return
  }
}

</mosaic_0001>

<sc_bundles>
// kernel: kernel.3.cloned.1.call-start
scs
__scs_entry_jumppad:
0x0: {  	(pc) =	sbr.rel $0x88, $3  }
0x1: {  	(tag) =	ssettag $0x0;
	lr =	simm.s32 $0x1  }
0x2: {  	[smem:$0x3F9A] =	sst lr;
	_ =	strace $0xD0000000  }
0x3: {  	_ = 	snop  }
0x4: {  	_ = 	snop  }
0x5: {  	_ = 	snop  }
0x6: {  	_ = 	snop  }
0x7: {  	_ = 	snop  }
__scs_overlays_trampoline_lowered:
0x8: {  	[smem:$0x3FA9] =	sst s0  }
0x9: {  	[smem:$0x3FAA] =	sst s1  }
0xa: {  	[smem:$0x3FAB] =	sst s2  }
0xb: {  	[smem:$0x3FAC] =	sst s3  }
0xc: {  	[smem:$0x3FAD] =	sst s4  }
0xd: {  	[smem:$0x3FAE] =	sst s5  }
0xe: {  	[smem:$0x3FAF] =	sst s6  }
0xf: {  	[smem:$0x3FB0] =	sst s7  }
0x10: {  	[smem:$0x3FB1] =	sst s8  }
0x11: {  	[smem:$0x3FB2] =	sst s9;
	s0 =	simm.s32 @!p0 $0x0  }
0x12: {  	s1 =	sld [smem:$0x3F98];
	s0 =	simm.s32 @p0 $0x1  }
0x13: {  	[smem:$0x3FB3] =	sst s0;
	s0 =	simm.s32 @!p1 $0x0  }
0x14: {  	s2 =	sld [smem:$0x3F97];
	s0 =	simm.s32 @p1 $0x1  }
0x15: {  	[smem:$0x3FB4] =	sst s0;
	s0 =	simm.s32 @!p2 $0x0  }
0x16: {  	s3 =	sld [smem:$0x3FDB];
	s0 =	simm.s32 @p2 $0x1  }
0x17: {  	s4 =	simm.s32 $0x1BF5;
	[smem:$0x3FB6] =	sst s0  }
0x18: {  	s0 =	sld [smem:$0x3F99];
	_ =	swait.ge [sflag:s4], $0x0  }
0x19: {  	s7 =	sld [smem:$0x3F9A]  }
0x1a: {  	s8 =	sadd.s32 $0xFFFFE003, lr  }
0x1b: {  	s9 =	sadd.s32 $0xFFFFFEF7, lr;
	s5 =	simm.s32 $0xFFFFFFFF;
	p2 =	slt.u32 s8, $0xFFFFF086  }
0x1c: {  	p1 =	slt.u32 s9, $0xF7A;
	s5 =	simm.s32 @!p2 $0x0  }
0x1d: {  	s5 =	simm.s32 @p1 $0x1;
	p0 =	seq.s32 s7, s2  }
0x1e: {  	s7 =	smul.u32 @!p0 $0xF7A, s2;
	p2 =	seq.s32 @!p0 s5, $0x0  }
0x1f: {  	s9 =	smul.u32 $0xF7A, s1;
	s8 =	simm.s32 @!p0 $0x1BF5;
	p2 =	por !p2, p0  }
0x20: {  	[sflag:s8] =	ssyncset.s32 @!p0 $0xFFFFF086;
	s6 =	sadd.s32 @!p0 s3, s7;
	s7 =	simm.s32 @!p0 $0x108  }
0x21: {  	s3 =	sadd.s32 s3, s9;
	s6 =	sadd.s32 @!p0 $0x88, s6;
	s7 =	simm.s32 @p2 $0x1082  }
0x22: {  	[simem:s7], [sflag:s8] =	dma.local @!p0 [hbm:s6], $0xF7A  }
0x23: {  	s9 =	sor.u32 $0xD0000000, s2;
	s6 =	simm.s32 $0x108;
	_ =	swait.ge @!p0 [sflag:s8], $0x0  }
0x24: {  	s3 =	sadd.s32 $0x88, s3;
	s6 =	simm.s32 @!p1 $0x1082;
	[sflag:s4] =	ssyncset.s32 $0xFFFFF086  }
0x25: {  	[simem:s6], [sflag:s4] =	dma.local [hbm:s3], $0xF7A  }
0x26: {  	[smem:$0x3F9A] =	sst s1;
	(tag) =	ssettag s2;
	_ =	strace s9  }
0x27: {  	s1 =	sld [smem:$0x3FAA]  }
0x28: {  	s2 =	sld [smem:$0x3FAB]  }
0x29: {  	s4 =	sld [smem:$0x3FAD]  }
0x2a: {  	p0 =	seq.s32 s5, $0x0;
	s5 =	sld [smem:$0x3FAE]  }
0x2b: {  	s6 =	sld [smem:$0x3FAF]  }
0x2c: {  	s7 =	sld [smem:$0x3FB0]  }
0x2d: {  	s3 =	simm.s32 $0x108;
	s8 =	sld [smem:$0x3FB1]  }
0x2e: {  	s3 =	simm.s32 @!p0 $0x1082;
	s9 =	sld [smem:$0x3FB2]  }
0x2f: {  	lr =	sadd.s32 s0, s3;
	s0 =	sld [smem:$0x3FA9]  }
0x30: {  	s3 =	sld [smem:$0x3FAC]  }
0x31: {  	[smem:$0x3FB5] =	sst s10  }
0x32: {  	s10 =	sld [smem:$0x3FB3];
	_ =	sdelay $0x3  }
0x33: {  	p0 =	seq.s32 s10, $0x1;
	s10 =	sld [smem:$0x3FB5];
	_ =	sdelay $0x3  }
0x34: {  	[smem:$0x3FB5] =	sst s10  }
0x35: {  	s10 =	sld [smem:$0x3FB4];
	_ =	sdelay $0x3  }
0x36: {  	p1 =	seq.s32 s10, $0x1;
	s10 =	sld [smem:$0x3FB5];
	_ =	sdelay $0x3  }
0x37: {  	[smem:$0x3FB5] =	sst s10  }
0x38: {  	s10 =	sld [smem:$0x3FB6]  }
0x39: {  	_ = 	snop;
	(pc) =	sbr.ind lr, $3  }
0x3a: {  	_ = 	snop  }
0x3b: {  	_ = 	snop  }
0x3c: {  	p2 =	seq.s32 s10, $0x1;
	s10 =	sld [smem:$0x3FB5]  }
0x3d: {  	_ =	shalt  }
0x3e: {  	_ =	shalt  }
0x3f: {  	_ =	shalt  }
0x40: {  	_ =	shalt  }
0x41: {  	_ =	shalt  }
0x42: {  	_ =	shalt  }
0x43: {  	_ =	shalt  }
0x44: {  	_ =	shalt  }
0x45: {  	_ =	shalt  }
0x46: {  	_ =	shalt  }
0x47: {  	_ =	shalt  }
0x48: {  	_ =	shalt  }
0x49: {  	_ =	shalt  }
0x4a: {  	_ =	shalt  }
0x4b: {  	_ =	shalt  }
0x4c: {  	_ =	shalt  }
0x4d: {  	_ =	shalt  }
0x4e: {  	_ =	shalt  }
0x4f: {  	_ =	shalt  }
0x50: {  	_ =	shalt  }
0x51: {  	_ =	shalt  }
0x52: {  	_ =	shalt  }
0x53: {  	_ =	shalt  }
0x54: {  	_ =	shalt  }
0x55: {  	_ =	shalt  }
0x56: {  	_ =	shalt  }
0x57: {  	_ =	shalt  }
0x58: {  	_ =	shalt  }
0x59: {  	_ =	shalt  }
0x5a: {  	_ =	shalt  }
0x5b: {  	_ =	shalt  }
0x5c: {  	_ =	shalt  }
0x5d: {  	_ =	shalt  }
0x5e: {  	_ =	shalt  }
0x5f: {  	_ =	shalt  }
0x60: {  	_ =	shalt  }
0x61: {  	_ =	shalt  }
0x62: {  	_ =	shalt  }
0x63: {  	_ =	shalt  }
0x64: {  	_ =	shalt  }
0x65: {  	_ =	shalt  }
0x66: {  	_ =	shalt  }
0x67: {  	_ =	shalt  }
0x68: {  	_ =	shalt  }
0x69: {  	_ =	shalt  }
0x6a: {  	_ =	shalt  }
0x6b: {  	_ =	shalt  }
0x6c: {  	_ =	shalt  }
0x6d: {  	_ =	shalt  }
0x6e: {  	_ =	shalt  }
0x6f: {  	_ =	shalt  }
0x70: {  	_ =	shalt  }
0x71: {  	_ =	shalt  }
0x72: {  	_ =	shalt  }
0x73: {  	_ =	shalt  }
0x74: {  	_ =	shalt  }
0x75: {  	_ =	shalt  }
0x76: {  	_ =	shalt  }
0x77: {  	_ =	shalt  }
0x78: {  	_ =	shalt  }
0x79: {  	_ =	shalt  }
0x7a: {  	_ =	shalt  }
0x7b: {  	_ =	shalt  }
0x7c: {  	_ =	shalt  }
0x7d: {  	_ =	shalt  }
0x7e: {  	_ =	shalt  }
0x7f: {  	_ =	shalt  }
0x80: {  	_ =	shalt  }
0x81: {  	_ =	shalt  }
0x82: {  	_ =	shalt  }
0x83: {  	_ =	shalt  }
0x84: {  	_ =	shalt  }
0x85: {  	_ =	shalt  }
0x86: {  	_ =	shalt  }
0x87: {  	_ =	shalt  }
.Lfunc_end0:
.L_simem_size_0:
called_computation_lowered:
.L_overlay_start_0:
0x88: {  	s2 =	sld [smem:$0x3FD9]  }
0x89: {  	s3 =	sld [smem:$0x3FFE];
	_ =	sdelay $0x1  }
0x8a: {  	s1 =	srdreg.scid  }
0x8b: {  	s0 =	sand.u32 $0x1, s1  }
0x8c: {  	s17 =	sshll.u32 s0, $0xA;
	s2 =	sadd.s32 s3, s2  }
0x8d: {  	s2 =	sadd.s32 s2, s17  }
0x8e: {  	[smem:$0x3FC1] =	sst s2  }
0x8f: {  	_ = 	snop  }
0x90: {  	s2 =	sld [smem:$0x3FC3];
	(tm) =	ssettm $0x1  }
0x91: {  	s18 =	sld [smem:$0x3FFB];
	_ =	sdelay $0x3  }
0x92: {  	_ =	strace s18  }
0x93: {  	s3 =	sld [smem:$0x3FFC];
	_ =	sdelay $0x3  }
0x94: {  	_ =	strace s3  }
0x95: {  	s3 =	sld [smem:$0x3FFD];
	_ =	sdelay $0x3  }
0x96: {  	_ =	strace s3  }
0x97: {  	_ =	strace $0x8FFFFFFF  }
0x98: {  	s19 =	sld [smem:$0x3FDB];
	_ =	sdelay $0x1  }
0x99: {  	s4 =	simm.s32 $_scs_section_size  }
0x9a: {  	s5 =	simm.s32 $_size__tile_overlayer_lowered;
	s6 =	simm.s32 $_tile_overlayer_lowered  }
0x9b: {  	s22 =	simm.s32 $0x1BFF;
	s21 =	sshll.u32 s6, $0x1;
	s3 =	sadd.s32 s4, s19  }
0x9c: {  	s7 =	simm.s32 $0x0;
	s20 =	sshll.u32 s5, $0x1;
	s5 =	sadd.s32 s21, s3  }
0x9d: {  	[timem:s7], [sflag:s22] =	dma.local [hbm:s5], s20  }
0x9e: {  	_ =	swait.ge [sflag:s22], s20  }
0x9f: {  	s4 =	ssub.s32 $0x0, s20;
	[sflag:s22] =	ssyncset.done $0x0  }
0xa0: {  	[sflag:s22] =	ssyncadd.s32 s4;
	_ =	sdelay $0x1  }
0xa1: {  	s23 =	simm.s32 $0x1B8B  }
0xa2: {  	_ =	swait.ge [sflag:s23], $0x1  }
0xa3: {  	[sflag:s23] =	ssyncset.done $0x0  }
0xa4: {  	s25 =	simm.s32 $0x1B8E;
	s24 =	sld [smem:$0x3FFE];
	[sflag:s23] =	ssyncadd.s32 $0xFFFFFFFF  }
0xa5: {  	s26 =	simm.s32 $execute0_lowered;
	[smem:$0x3FD2] =	sst s25  }
0xa6: {  	s5 =	sshll.u32 s26, $0x1;
	_ =	strace $0x80000046;
	[dreg:$0x1] =	wrdreg $0xFFFFFFFF  }
0xa7: {  	s28 =	simm.s32 $_size_execute0_lowered;
	s3 =	sadd.s32 s3, s5;
	[dreg:$0x0] =	wrdreg $0x0  }
0xa8: {  	s5 =	sshll.u32 s28, $0x1;
	[dreg:$0x2] =	wrdreg s3  }
0xa9: {  	[dreg:$0x3] =	wrdreg s5  }
0xaa: {  	[dreg:$0x4] =	wrdreg $0xC0  }
0xab: {  	_ =	task [dreg:s7], $0x5FFFF  }
0xac: {  	[dreg:$0x1] =	wrdreg $0xFFFFFFFF  }
0xad: {  	[dreg:$0x0] =	wrdreg $0x60  }
0xae: {  	[dreg:$0x2] =	wrdreg s24  }
0xaf: {  	[dreg:$0x3] =	wrdreg s2  }
0xb0: {  	[dreg:$0x4] =	wrdreg $0x9  }
0xb1: {  	_ =	task.clear_ibuf [dreg:s7], $0x5FFFF;
	_ =	strace $0x90000046  }
0xb2: {  	s29 =	simm.s32 $0x9;
	_ =	strace $0x80000048  }
0xb3: {  	_ =	swait.ge [sflag:s29], $0x1  }
0xb4: {  	[sflag:s29] =	ssyncadd.s32 $0xFFFFFFFF  }
0xb5: {  	_ =	strace $0x90000048  }
0xb6: {  	_ =	sfence  }
0xb7: {  	s30 =	sld [smem:$0x0];
	_ =	sdelay $0x2  }
0xb8: {  	s31 =	sshll.u32 s1, $0xD;
	s1 =	sshrl.u32 s1, $0x2  }
0xb9: {  	s3 =	sand.u32 $0x4000, s31;
	s1 =	sadd.s32 s1, s30  }
0xba: {  	s0 =	sor.u32 s3, s0;
	s1 =	sshll.u32 s1, $0x11  }
0xbb: {  	s0 =	sor.u32 s1, s0  }
0xbc: {  	s0 =	sadd.s32 $0x8F2B, s0  }
0xbd: {  	[sflag:s0] =	ssyncadd.remote.s32 $0x1  }
0xbe: {  	_ =	sfence.sel $0xFFFF  }
0xbf: {  	[dreg:$0x0] =	wrdreg $0xFFFFFFFF;
	(pc) =	sbr.abs _section_cstart, $3  }
0xc0: {  	[dreg:$0x1] =	wrdreg $0xFFFFFFFF  }
0xc1: {  	_ =	task.clear_ibuf [dreg:s7], $0x2FFFF;
	_ =	strace $0x9FFFFFFF  }
0xc2: {  	(tm) =	ssettm $0x7FFFFFFF  }
0xc3: {  	_ =	shalt  }
tec
execute0_lowered:
.L_overlay_start_1:
0x0: {  	(tag) =	ssettag $0x1  }
0x1: {  	s1 =	srdreg.scid;
	s4 =	rddreg [dreg:$0x0]  }
0x2: {  	s0 =	stileid.u32;
	s7 =	rddreg [dreg:$0x1]  }
0x3: {  	s2 =	simm.s32 $0x0;
	s10 =	simm.s32 $0x1080;
	s11 =	simm.s32 $0x1  }
0x4: {  	s12 =	simm.s32 $0x1000;
	s13 =	simm.s32 $0x2;
	s14 =	simm.s32 $0x0  }
0x5: {  	s6 =	sand.u32 $0x1, s1;
	s3 =	sshll.u32 s0, $0x6;
	s1 =	rddreg [dreg:$0x2]  }
0x6: {  	[smem:$0x7FF] =	sst s2;
	s30 =	sshll.u32 s0, $0x13;
	s5 =	sshll.u32 s6, $0x5  }
0x7: {  	v0 =	vlaneseq.u32;
	s8 =	ssub.s32 $0x2, s6;
	_ =	strace $0x80000047;
	s7 =	sadd.s32 s30, s7  }
0x8: {  	v0 =	vmul.u32 $0x400, v0;
	s31 =	sshll.u32 s6, $0x12;
	s3 =	sor.u32 s5, s3;
	s9 =	sshrl.u32 s8, $0x1  }
0x9: {  	s7 =	sadd.s32 s31, s7;
	s5 =	sshll.u32 s3, $0x4;
	s8 =	ssub.s32 s8, s9  }
0xa: {  	v1 =	vor.u32 $0x4000, v0;
	v2 =	vor.u32 $0x8000, v0;
	v3 =	vor.u32 $0xC000, v0;
	s9 =	simm.s32 $0x64;
	s5 =	sadd.s32 s5, s4;
	s4 =	sadd.s32 $0x4400, s4  }
0xb: {  	v4 =	vor.u32 $0x10000, v0;
	v5 =	vor.u32 $0x14000, v0;
	v6 =	vadd.s32 $0x15000, v0;
	s6 =	smax.u32 s8, $0x1;
	s8 =	simm.s32 $0x3;
	s5 =	sadd.s32 $0x400, s5  }
.LBB2_1:
0xc: {  	[tilespmem:s2], [sflag:$0x3] =	stream.linear.gather [hbm4b:s5+s2], $0x1000, $0x38;
	[tilespmem:$0x4480] =	vst v63  }
0xd: {  	_ =	swait.ge [sflag:s8], $0x1000  }
0xe: {  	s15 =	sadd.s32 $0x0, s3;
	[sflag:s8] =	ssyncset.done $0x0  }
0xf: {  	v7 =	vor.u32 s15, v1;
	[sflag:s8] =	ssyncadd.s32 $0xFFFFF000  }
0x10: {  	v8 =	vor.u32 s15, v0;
	[tilespmem:$0x1010] =	vst v7  }
0x11: {  	v7 =	vor.u32 s15, v5;
	[tilespmem:$0x1000] =	vst v8  }
0x12: {  	v8 =	vor.u32 s15, v4;
	[tilespmem:$0x1050] =	vst v7  }
0x13: {  	v7 =	vor.u32 s15, v2;
	[tilespmem:$0x1040] =	vst v8  }
0x14: {  	v8 =	vor.u32 s15, v3;
	[tilespmem:$0x1020] =	vst v7  }
0x15: {  	v7 =	vor.u32 s15, v6;
	[tilespmem:$0x1030] =	vst v8  }
0x16: {  	s16 =	simm.s32 $0x0;
	[tilespmem:$0x1054] =	vst v7  }
0x17: {  	[tilespmem:s10], [sflag:$0x1] =	stream.indirect.gather [hbm4b:s7+s9], $0x80, s2, s9, $0xb8;
	[tilespmem:$0x4480] =	vst v63  }
0x18: {  	s17 =	smov.u32 s7;
	s15 =	simm.s32 $0x1;
	_ =	swait.ge [sflag:s11], $0x3200  }
.LBB2_2:
0x19: {  	[sflag:s11] =	ssyncset.done $0x0  }
0x1a: {  	s16 =	sadd.s32 $0x80, s16;
	s17 =	sadd.s32 $0x2000, s17;
	s18 =	smov.u32 s15  }
0x1b: {  	p0 =	sne.s32 s15, $0x1F;
	s15 =	sadd.s32 $0x1, s15;
	[sflag:s11] =	ssyncadd.s32 $0xFFFFCE00  }
0x1c: {  	[hbm4b:s4+s9] =	stream.indirect.scatter [tilespmem:s10], [sflag:$0x2], $0x80, s12, s9, $0xb8;
	[tilespmem:$0x4480] =	vst v63  }
0x1d: {  	_ =	swait.ge [sflag:s13], $0x3200  }
0x1e: {  	s18 =	sadd.s32 s18, s3;
	[sflag:s13] =	ssyncset.done $0x0  }
0x1f: {  	v7 =	vor.u32 s18, v0;
	v8 =	vor.u32 s18, v1;
	v9 =	vor.u32 s18, v5;
	[sflag:s13] =	ssyncadd.s32 $0xFFFFCE00  }
0x20: {  	v10 =	vor.u32 s18, v3;
	v11 =	vor.u32 s18, v4;
	[tilespmem:$0x1010] =	vst v8;
	v8 =	vor.u32 s18, v2  }
0x21: {  	[tilespmem:$0x1000] =	vst v7  }
0x22: {  	v7 =	vor.u32 s18, v6;
	[tilespmem:$0x1050] =	vst v9  }
0x23: {  	[tilespmem:$0x1040] =	vst v11  }
.Ltmp0:
0x24: {  	[tilespmem:$0x1020] =	vst v8;
	(pc) =	sbr.rel @p0 .LBB2_2-.Ltmp0, $4  }
0x25: {  	[tilespmem:$0x1030] =	vst v10  }
0x26: {  	[tilespmem:$0x1054] =	vst v7  }
0x27: {  	[tilespmem:s10], [sflag:$0x1] =	stream.indirect.gather [hbm4b:s17+s9], $0x80, s16, s9, $0xb8;
	[tilespmem:$0x4480] =	vst v63  }
0x28: {  	_ =	swait.ge [sflag:s11], $0x3200  }
0x29: {  	s14 =	sadd.s32 $0x1, s14  }
0x2a: {  	[sflag:s11] =	ssyncset.done $0x0;
	p0 =	sne.s32 s14, s6  }
.Ltmp1:
0x2b: {  	[sflag:s11] =	ssyncadd.s32 $0xFFFFCE00;
	(pc) =	sbr.rel @p0 .LBB2_1-.Ltmp1, $4  }
0x2c: {  	[hbm4b:s4+s9] =	stream.indirect.scatter [tilespmem:s10], [sflag:$0x2], $0x80, s12, s9, $0xb8;
	[tilespmem:$0x4480] =	vst v63  }
0x2d: {  	_ =	swait.ge [sflag:s13], $0x3200  }
0x2e: {  	[sflag:s13] =	ssyncset.done $0x0  }
0x2f: {  	[sflag:s13] =	ssyncadd.s32 $0xFFFFCE00  }
0x30: {  	_ =	sfence.sel $0x180000  }
0x31: {  	[bflag:$0x0] =	sbarrier.arrive $0xFFFF  }
0x32: {  	p0 =	sne.s32 s0, $0x0;
	_ =	strace $0x90000047  }
0x33: {  	s0 =	sadd.s32 @!p0 $0x100000, s1;
	[bflag:$0x2] =	sbarrier.arrive $0xFFFF  }
0x34: {  	[sflag:s0] =	ssyncadd.tile.s32 @!p0 $0x1;
	_ =	shalt  }
.Lfunc_end2:
_tile_overlayer_lowered:
.L_overlay_start_2:
0x35: {  	(tag) =	ssettag $0x2  }
0x36: {  	s0 =	rddreg [dreg:$0x0];
	s2 =	stileid.u32  }
0x37: {  	s1 =	rddreg [dreg:$0x1];
	p0 =	sne.s32 s2, $0x0  }
0x38: {  	s3 =	rddreg [dreg:$0x2];
	[bflag:$0x3] =	sbarrier.arrive $0xFFFF;
	s2 =	simm.s32 @!p0 $0x1C03  }
0x39: {  	[timem:s3], [sflag:s2] =	dma.local @!p0 [hbm:s0], s1  }
0x3a: {  	s0 =	simm.s32 @!p0 $0x3  }
0x3b: {  	_ =	swait.ge @!p0 [sflag:s0], s1  }
0x3c: {  	s1 =	ssub.s32 @!p0 $0x0, s1;
	[sflag:s0] =	ssyncset.done @!p0 $0x0  }
0x3d: {  	[sflag:s0] =	ssyncadd.s32 @!p0 s1  }
0x3e: {  	[bflag:$0x3] =	sbarrier.arrive $0xFFFF  }
0x3f: {  	_ =	shalt  }

</sc_bundles>
